<compile_context>
chip_gen: v7x
topology: tpu7x:2x2x1
jax: 0.10.2.dev20260603
libtpu: 0.0.44.dev20260713+nightly
codegen_flags: <defaults>
</compile_context>

<pallas_src>
import jax
import jax.numpy as jnp
from jax import lax
from jax.experimental import pallas as pl
from jax.experimental.pallas import tpu as pltpu
from jax.experimental.pallas import tpu_sc as plsc

_N = 512
_L = 16
_NC = 1
_NS = 16
_OWN = _N // (_NC * _NS)
_H = _OWN // _L
_UNROLL = 8
_MAIN = 496


def _to_ordered_i32(u):
    m = lax.shift_right_logical(lax.shift_right_arithmetic(u, 31), 1)
    return u ^ m


def _sort_body(x_hbm, map_hbm, out_idx, out_vals, x_v, k_v, m_v, vals_v,
               rank_v, sem):
    wid = lax.axis_index("s") * _NC + lax.axis_index("c")
    base = wid * _OWN

    pltpu.sync_copy(x_hbm, x_v)
    pltpu.sync_copy(map_hbm.at[pl.ds(base, _OWN)], m_v)

    def tbody(c, carry):
        u = plsc.bitcast(x_v[pl.ds(c * _L, _L)], jnp.int32)
        k_v[pl.ds(c * _L, _L)] = _to_ordered_i32(u)
        return carry

    lax.fori_loop(0, _N // _L, tbody, 0)
    k_v[pl.ds(_N, _L)] = k_v[pl.ds(0, _L)]

    xis = [x_v[pl.ds(base + h * _L, _L)] for h in range(_H)]
    kis = [_to_ordered_i32(plsc.bitcast(xi, jnp.int32)) for xi in xis]
    lane = lax.iota(jnp.int32, 16)
    zeros = jnp.zeros((_L,), jnp.int32)

    def wbody(t, carry):
        cs = [list(c) for c in carry]
        for u_ in range(_UNROLL):
            o = t * _UNROLL + u_
            kw = k_v[pl.ds(o, _L)]
            for h in range(_H):
                tb = (o < base + h * _L).astype(jnp.int32)
                kib = kis[h] - tb
                cs[h][u_ % 4] = cs[h][u_ % 4] + jnp.where(kw > kib, 1, 0)
        return tuple(tuple(c) for c in cs)

    accs = tuple((zeros,) * 4 for _ in range(_H))
    cnts = [(c[0] + c[1]) + (c[2] + c[3]) + lane + base + h * _L
            for h, c in enumerate(accs)]


    for h in range(_H):
        vals_v[pl.ds(h * _L, _L)] = xis[h]
        rank_v[pl.ds(h * _L, _L)] = cnts[h]
    pltpu.sync_copy(vals_v, out_vals.at[pl.ds(base, _OWN)])
    pltpu.sync_copy(m_v, out_idx.at[pl.ds(base, _OWN)])


@jax.jit
def kernel(input, map_arr):
    mesh = plsc.VectorSubcoreMesh(core_axis_name="c", subcore_axis_name="s",
                                  num_cores=_NC)
    k = pl.kernel(
        _sort_body,
        out_type=(
            jax.ShapeDtypeStruct((_N,), jnp.int32),
            jax.ShapeDtypeStruct((_N,), jnp.float32),
        ),
        mesh=mesh,
        scratch_types=[
            pltpu.VMEM((_N,), jnp.float32),
            pltpu.VMEM((_N + _L,), jnp.int32),
            pltpu.VMEM((_OWN,), jnp.int32),
            pltpu.VMEM((_OWN,), jnp.float32),
            pltpu.VMEM((_OWN,), jnp.int32),
            pltpu.SemaphoreType.DMA,
        ],
        compiler_params=pltpu.CompilerParams(needs_layout_passes=False),
    )
    indexes, values = k(input, map_arr)
    return indexes, values

# --- scband reference (transcript-rebuilt; emitter-appended) ---
"""Pipeline reference for scband-mapper-32263794328218 (READ-ONLY COPY).

The authoritative reference and input builder live on the scoring server;
editing this copy changes nothing except your own understanding.
"""

import jax, jax.numpy as jnp
import numpy as np

N = 512

def setup_inputs(seed: int = 0):
    key = jax.random.key(seed)
    x = jax.random.normal(key, (N,), dtype=jnp.float32)
    map_arr = jnp.arange(N, dtype=jnp.int32)
    return {"input": x, "map_arr": map_arr}

def reference(input, map_arr):
    # tf.argsort(input, direction='DESCENDING') -> argsort of negated values
    sorted_i = jnp.argsort(-input)
    values = jnp.take(input, sorted_i)
    indexes = jnp.take(map_arr, sorted_i)
    return (indexes, values)

if __name__ == "__main__":
    import jax
    _d = setup_inputs()
    print(jax.jit(kernel)(*tuple(_d.values())))

</pallas_src>

<mosaic_0001>
#map = affine_map<(d0, d1) -> (0)>
module attributes {stable_mosaic.version = 14 : i64} {
  func.func @_sort_body(%arg0: i32, %arg1: i32, %arg2: memref<512xf32, #tpu.memory_space<hbm>>, %arg3: memref<512xi32, #tpu.memory_space<hbm>>, %arg4: memref<512xi32, #tpu.memory_space<hbm>>, %arg5: memref<512xf32, #tpu.memory_space<hbm>>, %arg6: memref<512xf32, #tpu.memory_space<vmem>>, %arg7: memref<528xi32, #tpu.memory_space<vmem>>, %arg8: memref<32xi32, #tpu.memory_space<vmem>>, %arg9: memref<32xf32, #tpu.memory_space<vmem>>, %arg10: memref<32xi32, #tpu.memory_space<vmem>>, %arg11: memref<!tpu.dma_semaphore, #tpu.memory_space<semaphore_mem>>) attributes {dimension_semantics = [#tpu.dimension_semantics<core_parallel>, #tpu.dimension_semantics<subcore_parallel>], iteration_bounds = array<i64: 1, 16>, scalar_prefetch = 0 : i64, scratch_operands = 6 : i64, tpu.core_type = #tpu.core_type<sc_vector_subcore>, window_params = [{transform_indices = #map}, {transform_indices = #map}, {transform_indices = #map}, {transform_indices = #map}]} {
    %mul3A = arith.constant 1 : i32
    %mul3A_0 = arith.muli %arg1, %mul3A : i32
    %add3A = arith.addi %mul3A_0, %arg0 : i32
    %mul3A_1 = arith.constant 32 : i32
    %mul3A_2 = arith.muli %add3A, %mul3A_1 : i32
    "tpu.region"() ({
      %run_scoped3A = tpu.sem_alloc : memref<!tpu.dma_semaphore, #tpu.memory_space<semaphore_mem>>
      tpu.enqueue_dma source(%arg2 : memref<512xf32, #tpu.memory_space<hbm>>) target(%arg6 : memref<512xf32, #tpu.memory_space<vmem>>) target_semaphore(%run_scoped3A : memref<!tpu.dma_semaphore, #tpu.memory_space<semaphore_mem>>)
      tpu.wait_dma2 semaphore(%run_scoped3A : memref<!tpu.dma_semaphore, #tpu.memory_space<semaphore_mem>>) src(%arg2 : memref<512xf32, #tpu.memory_space<hbm>>) dst(%arg6 : memref<512xf32, #tpu.memory_space<vmem>>)
      tpu.yield
    }) : () -> ()
    "tpu.region"() ({
      %run_scoped3A = tpu.sem_alloc : memref<!tpu.dma_semaphore, #tpu.memory_space<semaphore_mem>>
      %dma_start3A = tpu.memref_slice %arg3[%mul3A_2] : memref<512xi32, #tpu.memory_space<hbm>> -> memref<32xi32, #tpu.memory_space<hbm>>
      %dma_start3A_57 = tpu.memref_slice %arg3[%mul3A_2] : memref<512xi32, #tpu.memory_space<hbm>> -> memref<32xi32, #tpu.memory_space<hbm>>
      tpu.enqueue_dma source(%dma_start3A_57 : memref<32xi32, #tpu.memory_space<hbm>>) target(%arg8 : memref<32xi32, #tpu.memory_space<vmem>>) target_semaphore(%run_scoped3A : memref<!tpu.dma_semaphore, #tpu.memory_space<semaphore_mem>>)
      %dma_wait3A = tpu.memref_slice %arg3[%mul3A_2] : memref<512xi32, #tpu.memory_space<hbm>> -> memref<32xi32, #tpu.memory_space<hbm>>
      %dma_wait3A_58 = tpu.memref_slice %arg3[%mul3A_2] : memref<512xi32, #tpu.memory_space<hbm>> -> memref<32xi32, #tpu.memory_space<hbm>>
      tpu.wait_dma2 semaphore(%run_scoped3A : memref<!tpu.dma_semaphore, #tpu.memory_space<semaphore_mem>>) src(%dma_wait3A_58 : memref<32xi32, #tpu.memory_space<hbm>>) dst(%arg8 : memref<32xi32, #tpu.memory_space<vmem>>)
      tpu.yield
    }) : () -> ()
    %scan3A = arith.constant 0 : i32
    %scan3A_3 = arith.constant 0 : i32
    %scan3A_4 = arith.constant 32 : i32
    %scan3A_5 = arith.addi %scan3A_3, %scan3A_4 : i32
    %scan3A_6 = arith.constant 1 : i32
    scf.for %scan3A_57 = %scan3A_3 to %scan3A_5 step %scan3A_6  : i32 {
      %mul3A_58 = arith.constant 16 : i32
      %mul3A_59 = arith.muli %scan3A_57, %mul3A_58 : i32
      %get3A_60 = arith.index_cast %mul3A_59 : i32 to index
      %get3A_61 = tpu.vector_load %arg6[%get3A_60] {strides = array<i32>} : memref<512xf32, #tpu.memory_space<vmem>>, vector<16xf32>,
      %bitcast3A_62 = vector.bitcast %get3A_61 : vector<16xf32> to vector<16xi32>
      %shift_right_arithmetic3A_63 = arith.constant 31 : i32
      %shift_right_arithmetic3A_64 = vector.broadcast %shift_right_arithmetic3A_63 : i32 to vector<16xi32>
      %shift_right_arithmetic3A_65 = arith.shrsi %bitcast3A_62, %shift_right_arithmetic3A_64 : vector<16xi32>
      %shift_right_logical3A_66 = arith.constant 1 : i32
      %shift_right_logical3A_67 = vector.broadcast %shift_right_logical3A_66 : i32 to vector<16xi32>
      %shift_right_logical3A_68 = arith.shrui %shift_right_arithmetic3A_65, %shift_right_logical3A_67 : vector<16xi32>
      %xor3A_69 = arith.xori %bitcast3A_62, %shift_right_logical3A_68 : vector<16xi32>
      %mul3A_70 = arith.constant 16 : i32
      %mul3A_71 = arith.muli %scan3A_57, %mul3A_70 : i32
      %swap3A_72 = arith.index_cast %mul3A_71 : i32 to index
      %swap3A_73 = tpu.vector_load %arg7[%swap3A_72] {strides = array<i32>} : memref<528xi32, #tpu.memory_space<vmem>>, vector<16xi32>,
      tpu.vector_store %arg7[%swap3A_72], %xor3A_69 {strides = array<i32>} : memref<528xi32, #tpu.memory_space<vmem>>, vector<16xi32>,
    }
    %scan3A_7 = arith.constant 32 : i32
    %get3A = arith.constant 0 : index
    %get3A_8 = tpu.vector_load %arg7[%get3A] {strides = array<i32>} : memref<528xi32, #tpu.memory_space<vmem>>, vector<16xi32>,
    %swap3A = arith.constant 512 : index
    %swap3A_9 = tpu.vector_load %arg7[%swap3A] {strides = array<i32>} : memref<528xi32, #tpu.memory_space<vmem>>, vector<16xi32>,
    tpu.vector_store %arg7[%swap3A], %get3A_8 {strides = array<i32>} : memref<528xi32, #tpu.memory_space<vmem>>, vector<16xi32>,
    %add3A_10 = arith.constant 0 : i32
    %add3A_11 = arith.addi %mul3A_2, %add3A_10 : i32
    %get3A_12 = arith.index_cast %add3A_11 : i32 to index
    %get3A_13 = tpu.vector_load %arg6[%get3A_12] {strides = array<i32>} : memref<512xf32, #tpu.memory_space<vmem>>, vector<16xf32>,
    %add3A_14 = arith.constant 16 : i32
    %add3A_15 = arith.addi %mul3A_2, %add3A_14 : i32
    %get3A_16 = arith.index_cast %add3A_15 : i32 to index
    %get3A_17 = tpu.vector_load %arg6[%get3A_16] {strides = array<i32>} : memref<512xf32, #tpu.memory_space<vmem>>, vector<16xf32>,
    %bitcast3A = vector.bitcast %get3A_13 : vector<16xf32> to vector<16xi32>
    %shift_right_arithmetic3A = arith.constant 31 : i32
    %shift_right_arithmetic3A_18 = vector.broadcast %shift_right_arithmetic3A : i32 to vector<16xi32>
    %shift_right_arithmetic3A_19 = arith.shrsi %bitcast3A, %shift_right_arithmetic3A_18 : vector<16xi32>
    %shift_right_logical3A = arith.constant 1 : i32
    %shift_right_logical3A_20 = vector.broadcast %shift_right_logical3A : i32 to vector<16xi32>
    %shift_right_logical3A_21 = arith.shrui %shift_right_arithmetic3A_19, %shift_right_logical3A_20 : vector<16xi32>
    %xor3A = arith.xori %bitcast3A, %shift_right_logical3A_21 : vector<16xi32>
    %bitcast3A_22 = vector.bitcast %get3A_17 : vector<16xf32> to vector<16xi32>
    %shift_right_arithmetic3A_23 = arith.constant 31 : i32
    %shift_right_arithmetic3A_24 = vector.broadcast %shift_right_arithmetic3A_23 : i32 to vector<16xi32>
    %shift_right_arithmetic3A_25 = arith.shrsi %bitcast3A_22, %shift_right_arithmetic3A_24 : vector<16xi32>
    %shift_right_logical3A_26 = arith.constant 1 : i32
    %shift_right_logical3A_27 = vector.broadcast %shift_right_logical3A_26 : i32 to vector<16xi32>
    %shift_right_logical3A_28 = arith.shrui %shift_right_arithmetic3A_25, %shift_right_logical3A_27 : vector<16xi32>
    %xor3A_29 = arith.xori %bitcast3A_22, %shift_right_logical3A_28 : vector<16xi32>
    %iota3A = tpu.iota {dimensions = array<i32: 0>} : vector<16xi32>
    %broadcast_in_dim3A = arith.constant 0 : i32
    %broadcast_in_dim3A_30 = vector.broadcast %broadcast_in_dim3A : i32 to vector<16xi32>
    %add3A_31 = arith.addi %broadcast_in_dim3A_30, %broadcast_in_dim3A_30 : vector<16xi32>
    %add3A_32 = arith.addi %broadcast_in_dim3A_30, %broadcast_in_dim3A_30 : vector<16xi32>
    %add3A_33 = arith.addi %add3A_31, %add3A_32 : vector<16xi32>
    %add3A_34 = arith.addi %add3A_33, %iota3A : vector<16xi32>
    %add3A_35 = vector.broadcast %mul3A_2 : i32 to vector<16xi32>
    %add3A_36 = arith.addi %add3A_34, %add3A_35 : vector<16xi32>
    %add3A_37 = arith.constant 0 : i32
    %add3A_38 = vector.broadcast %add3A_37 : i32 to vector<16xi32>
    %add3A_39 = arith.addi %add3A_36, %add3A_38 : vector<16xi32>
    %add3A_40 = arith.addi %broadcast_in_dim3A_30, %broadcast_in_dim3A_30 : vector<16xi32>
    %add3A_41 = arith.addi %broadcast_in_dim3A_30, %broadcast_in_dim3A_30 : vector<16xi32>
    %add3A_42 = arith.addi %add3A_40, %add3A_41 : vector<16xi32>
    %add3A_43 = arith.addi %add3A_42, %iota3A : vector<16xi32>
    %add3A_44 = vector.broadcast %mul3A_2 : i32 to vector<16xi32>
    %add3A_45 = arith.addi %add3A_43, %add3A_44 : vector<16xi32>
    %add3A_46 = arith.constant 16 : i32
    %add3A_47 = vector.broadcast %add3A_46 : i32 to vector<16xi32>
    %add3A_48 = arith.addi %add3A_45, %add3A_47 : vector<16xi32>
    %swap3A_49 = arith.constant 0 : index
    %swap3A_50 = tpu.vector_load %arg9[%swap3A_49] {strides = array<i32>} : memref<32xf32, #tpu.memory_space<vmem>>, vector<16xf32>,
    tpu.vector_store %arg9[%swap3A_49], %get3A_13 {strides = array<i32>} : memref<32xf32, #tpu.memory_space<vmem>>, vector<16xf32>,
    %swap3A_51 = arith.constant 0 : index
    %swap3A_52 = tpu.vector_load %arg10[%swap3A_51] {strides = array<i32>} : memref<32xi32, #tpu.memory_space<vmem>>, vector<16xi32>,
    tpu.vector_store %arg10[%swap3A_51], %add3A_39 {strides = array<i32>} : memref<32xi32, #tpu.memory_space<vmem>>, vector<16xi32>,
    %swap3A_53 = arith.constant 16 : index
    %swap3A_54 = tpu.vector_load %arg9[%swap3A_53] {strides = array<i32>} : memref<32xf32, #tpu.memory_space<vmem>>, vector<16xf32>,
    tpu.vector_store %arg9[%swap3A_53], %get3A_17 {strides = array<i32>} : memref<32xf32, #tpu.memory_space<vmem>>, vector<16xf32>,
    %swap3A_55 = arith.constant 16 : index
    %swap3A_56 = tpu.vector_load %arg10[%swap3A_55] {strides = array<i32>} : memref<32xi32, #tpu.memory_space<vmem>>, vector<16xi32>,
    tpu.vector_store %arg10[%swap3A_55], %add3A_48 {strides = array<i32>} : memref<32xi32, #tpu.memory_space<vmem>>, vector<16xi32>,
    "tpu.region"() ({
      %run_scoped3A = tpu.sem_alloc : memref<!tpu.dma_semaphore, #tpu.memory_space<semaphore_mem>>
      %dma_start3A = tpu.memref_slice %arg5[%mul3A_2] : memref<512xf32, #tpu.memory_space<hbm>> -> memref<32xf32, #tpu.memory_space<hbm>>
      %dma_start3A_57 = tpu.memref_slice %arg5[%mul3A_2] : memref<512xf32, #tpu.memory_space<hbm>> -> memref<32xf32, #tpu.memory_space<hbm>>
      tpu.enqueue_dma source(%arg9 : memref<32xf32, #tpu.memory_space<vmem>>) target(%dma_start3A_57 : memref<32xf32, #tpu.memory_space<hbm>>) target_semaphore(%run_scoped3A : memref<!tpu.dma_semaphore, #tpu.memory_space<semaphore_mem>>)
      %dma_wait3A = tpu.memref_slice %arg5[%mul3A_2] : memref<512xf32, #tpu.memory_space<hbm>> -> memref<32xf32, #tpu.memory_space<hbm>>
      %dma_wait3A_58 = tpu.memref_slice %arg5[%mul3A_2] : memref<512xf32, #tpu.memory_space<hbm>> -> memref<32xf32, #tpu.memory_space<hbm>>
      tpu.wait_dma2 semaphore(%run_scoped3A : memref<!tpu.dma_semaphore, #tpu.memory_space<semaphore_mem>>) src(%arg9 : memref<32xf32, #tpu.memory_space<vmem>>) dst(%dma_wait3A_58 : memref<32xf32, #tpu.memory_space<hbm>>)
      tpu.yield
    }) : () -> ()
    "tpu.region"() ({
      %run_scoped3A = tpu.sem_alloc : memref<!tpu.dma_semaphore, #tpu.memory_space<semaphore_mem>>
      %dma_start3A = tpu.memref_slice %arg4[%mul3A_2] : memref<512xi32, #tpu.memory_space<hbm>> -> memref<32xi32, #tpu.memory_space<hbm>>
      %dma_start3A_57 = tpu.memref_slice %arg4[%mul3A_2] : memref<512xi32, #tpu.memory_space<hbm>> -> memref<32xi32, #tpu.memory_space<hbm>>
      tpu.enqueue_dma source(%arg8 : memref<32xi32, #tpu.memory_space<vmem>>) target(%dma_start3A_57 : memref<32xi32, #tpu.memory_space<hbm>>) target_semaphore(%run_scoped3A : memref<!tpu.dma_semaphore, #tpu.memory_space<semaphore_mem>>)
      %dma_wait3A = tpu.memref_slice %arg4[%mul3A_2] : memref<512xi32, #tpu.memory_space<hbm>> -> memref<32xi32, #tpu.memory_space<hbm>>
      %dma_wait3A_58 = tpu.memref_slice %arg4[%mul3A_2] : memref<512xi32, #tpu.memory_space<hbm>> -> memref<32xi32, #tpu.memory_space<hbm>>
      tpu.wait_dma2 semaphore(%run_scoped3A : memref<!tpu.dma_semaphore, #tpu.memory_space<semaphore_mem>>) src(%arg8 : memref<32xi32, #tpu.memory_space<vmem>>) dst(%dma_wait3A_58 : memref<32xi32, #tpu.memory_space<hbm>>)
      tpu.yield
    }) : () -> ()
    return
  }
}

</mosaic_0001>

<sc_bundles>
// kernel: kernel.3.cloned.1.call-start
scs
__scs_entry_jumppad:
0x0: {  	(pc) =	sbr.rel $0x88, $3  }
0x1: {  	(tag) =	ssettag $0x0;
	lr =	simm.s32 $0x1  }
0x2: {  	[smem:$0x3F9F] =	sst lr;
	_ =	strace $0xD0000000  }
0x3: {  	_ = 	snop  }
0x4: {  	_ = 	snop  }
0x5: {  	_ = 	snop  }
0x6: {  	_ = 	snop  }
0x7: {  	_ = 	snop  }
__scs_overlays_trampoline_lowered:
0x8: {  	[smem:$0x3FAE] =	sst s0  }
0x9: {  	[smem:$0x3FAF] =	sst s1  }
0xa: {  	[smem:$0x3FB0] =	sst s2  }
0xb: {  	[smem:$0x3FB1] =	sst s3  }
0xc: {  	[smem:$0x3FB2] =	sst s4  }
0xd: {  	[smem:$0x3FB3] =	sst s5  }
0xe: {  	[smem:$0x3FB4] =	sst s6  }
0xf: {  	[smem:$0x3FB5] =	sst s7  }
0x10: {  	[smem:$0x3FB6] =	sst s8  }
0x11: {  	[smem:$0x3FB7] =	sst s9;
	s0 =	simm.s32 @!p0 $0x0  }
0x12: {  	s1 =	sld [smem:$0x3F9D];
	s0 =	simm.s32 @p0 $0x1  }
0x13: {  	[smem:$0x3FB8] =	sst s0;
	s0 =	simm.s32 @!p1 $0x0  }
0x14: {  	s2 =	sld [smem:$0x3F9C];
	s0 =	simm.s32 @p1 $0x1  }
0x15: {  	[smem:$0x3FB9] =	sst s0;
	s0 =	simm.s32 @!p2 $0x0  }
0x16: {  	s3 =	sld [smem:$0x3FDB];
	s0 =	simm.s32 @p2 $0x1  }
0x17: {  	s4 =	simm.s32 $0x1BF5;
	[smem:$0x3FBB] =	sst s0  }
0x18: {  	s0 =	sld [smem:$0x3F9E];
	_ =	swait.ge [sflag:s4], $0x0  }
0x19: {  	s7 =	sld [smem:$0x3F9F]  }
0x1a: {  	s8 =	sadd.s32 $0xFFFFE003, lr  }
0x1b: {  	s9 =	sadd.s32 $0xFFFFFEF7, lr;
	s5 =	simm.s32 $0xFFFFFFFF;
	p2 =	slt.u32 s8, $0xFFFFF086  }
0x1c: {  	p1 =	slt.u32 s9, $0xF7A;
	s5 =	simm.s32 @!p2 $0x0  }
0x1d: {  	s5 =	simm.s32 @p1 $0x1;
	p0 =	seq.s32 s7, s2  }
0x1e: {  	s7 =	smul.u32 @!p0 $0xF7A, s2;
	p2 =	seq.s32 @!p0 s5, $0x0  }
0x1f: {  	s9 =	smul.u32 $0xF7A, s1;
	s8 =	simm.s32 @!p0 $0x1BF5;
	p2 =	por !p2, p0  }
0x20: {  	[sflag:s8] =	ssyncset.s32 @!p0 $0xFFFFF086;
	s6 =	sadd.s32 @!p0 s3, s7;
	s7 =	simm.s32 @!p0 $0x108  }
0x21: {  	s3 =	sadd.s32 s3, s9;
	s6 =	sadd.s32 @!p0 $0x88, s6;
	s7 =	simm.s32 @p2 $0x1082  }
0x22: {  	[simem:s7], [sflag:s8] =	dma.local @!p0 [hbm:s6], $0xF7A  }
0x23: {  	s9 =	sor.u32 $0xD0000000, s2;
	s6 =	simm.s32 $0x108;
	_ =	swait.ge @!p0 [sflag:s8], $0x0  }
0x24: {  	s3 =	sadd.s32 $0x88, s3;
	s6 =	simm.s32 @!p1 $0x1082;
	[sflag:s4] =	ssyncset.s32 $0xFFFFF086  }
0x25: {  	[simem:s6], [sflag:s4] =	dma.local [hbm:s3], $0xF7A  }
0x26: {  	[smem:$0x3F9F] =	sst s1;
	(tag) =	ssettag s2;
	_ =	strace s9  }
0x27: {  	s1 =	sld [smem:$0x3FAF]  }
0x28: {  	s2 =	sld [smem:$0x3FB0]  }
0x29: {  	s4 =	sld [smem:$0x3FB2]  }
0x2a: {  	p0 =	seq.s32 s5, $0x0;
	s5 =	sld [smem:$0x3FB3]  }
0x2b: {  	s6 =	sld [smem:$0x3FB4]  }
0x2c: {  	s7 =	sld [smem:$0x3FB5]  }
0x2d: {  	s3 =	simm.s32 $0x108;
	s8 =	sld [smem:$0x3FB6]  }
0x2e: {  	s3 =	simm.s32 @!p0 $0x1082;
	s9 =	sld [smem:$0x3FB7]  }
0x2f: {  	lr =	sadd.s32 s0, s3;
	s0 =	sld [smem:$0x3FAE]  }
0x30: {  	s3 =	sld [smem:$0x3FB1]  }
0x31: {  	[smem:$0x3FBA] =	sst s10  }
0x32: {  	s10 =	sld [smem:$0x3FB8];
	_ =	sdelay $0x3  }
0x33: {  	p0 =	seq.s32 s10, $0x1;
	s10 =	sld [smem:$0x3FBA];
	_ =	sdelay $0x3  }
0x34: {  	[smem:$0x3FBA] =	sst s10  }
0x35: {  	s10 =	sld [smem:$0x3FB9];
	_ =	sdelay $0x3  }
0x36: {  	p1 =	seq.s32 s10, $0x1;
	s10 =	sld [smem:$0x3FBA];
	_ =	sdelay $0x3  }
0x37: {  	[smem:$0x3FBA] =	sst s10  }
0x38: {  	s10 =	sld [smem:$0x3FBB]  }
0x39: {  	_ = 	snop;
	(pc) =	sbr.ind lr, $3  }
0x3a: {  	_ = 	snop  }
0x3b: {  	_ = 	snop  }
0x3c: {  	p2 =	seq.s32 s10, $0x1;
	s10 =	sld [smem:$0x3FBA]  }
0x3d: {  	_ =	shalt  }
0x3e: {  	_ =	shalt  }
0x3f: {  	_ =	shalt  }
0x40: {  	_ =	shalt  }
0x41: {  	_ =	shalt  }
0x42: {  	_ =	shalt  }
0x43: {  	_ =	shalt  }
0x44: {  	_ =	shalt  }
0x45: {  	_ =	shalt  }
0x46: {  	_ =	shalt  }
0x47: {  	_ =	shalt  }
0x48: {  	_ =	shalt  }
0x49: {  	_ =	shalt  }
0x4a: {  	_ =	shalt  }
0x4b: {  	_ =	shalt  }
0x4c: {  	_ =	shalt  }
0x4d: {  	_ =	shalt  }
0x4e: {  	_ =	shalt  }
0x4f: {  	_ =	shalt  }
0x50: {  	_ =	shalt  }
0x51: {  	_ =	shalt  }
0x52: {  	_ =	shalt  }
0x53: {  	_ =	shalt  }
0x54: {  	_ =	shalt  }
0x55: {  	_ =	shalt  }
0x56: {  	_ =	shalt  }
0x57: {  	_ =	shalt  }
0x58: {  	_ =	shalt  }
0x59: {  	_ =	shalt  }
0x5a: {  	_ =	shalt  }
0x5b: {  	_ =	shalt  }
0x5c: {  	_ =	shalt  }
0x5d: {  	_ =	shalt  }
0x5e: {  	_ =	shalt  }
0x5f: {  	_ =	shalt  }
0x60: {  	_ =	shalt  }
0x61: {  	_ =	shalt  }
0x62: {  	_ =	shalt  }
0x63: {  	_ =	shalt  }
0x64: {  	_ =	shalt  }
0x65: {  	_ =	shalt  }
0x66: {  	_ =	shalt  }
0x67: {  	_ =	shalt  }
0x68: {  	_ =	shalt  }
0x69: {  	_ =	shalt  }
0x6a: {  	_ =	shalt  }
0x6b: {  	_ =	shalt  }
0x6c: {  	_ =	shalt  }
0x6d: {  	_ =	shalt  }
0x6e: {  	_ =	shalt  }
0x6f: {  	_ =	shalt  }
0x70: {  	_ =	shalt  }
0x71: {  	_ =	shalt  }
0x72: {  	_ =	shalt  }
0x73: {  	_ =	shalt  }
0x74: {  	_ =	shalt  }
0x75: {  	_ =	shalt  }
0x76: {  	_ =	shalt  }
0x77: {  	_ =	shalt  }
0x78: {  	_ =	shalt  }
0x79: {  	_ =	shalt  }
0x7a: {  	_ =	shalt  }
0x7b: {  	_ =	shalt  }
0x7c: {  	_ =	shalt  }
0x7d: {  	_ =	shalt  }
0x7e: {  	_ =	shalt  }
0x7f: {  	_ =	shalt  }
0x80: {  	_ =	shalt  }
0x81: {  	_ =	shalt  }
0x82: {  	_ =	shalt  }
0x83: {  	_ =	shalt  }
0x84: {  	_ =	shalt  }
0x85: {  	_ =	shalt  }
0x86: {  	_ =	shalt  }
0x87: {  	_ =	shalt  }
.Lfunc_end0:
.L_simem_size_0:
called_computation_lowered:
.L_overlay_start_0:
0x88: {  	s0 =	sld [smem:$0x3FD9]  }
0x89: {  	s1 =	sld [smem:$0x3FFE];
	_ =	sdelay $0x3  }
0x8a: {  	s0 =	sadd.s32 s1, s0  }
0x8b: {  	[smem:$0x3FC6] =	sst s0  }
0x8c: {  	_ = 	snop  }
0x8d: {  	s0 =	sld [smem:$0x3FD0];
	_ =	sdelay $0x1  }
0x8e: {  	s14 =	sld [smem:$0x3FC9]  }
0x8f: {  	s3 =	simm.s32 $0xA;
	s4 =	simm.s32 $0x10;
	s2 =	sld [smem:$0x3FC8]  }
0x90: {  	[smem:s4], [sflag:s3] =	dma.local [hbm:s0], $0x1  }
0x91: {  	_ =	swait.eq [sflag:s3], $0x1  }
0x92: {  	[sflag:s3] =	ssyncset.done $0x0  }
0x93: {  	s15 =	sld [smem:$0x10];
	[sflag:s3] =	ssyncadd.s32 $0xFFFFFFFF  }
0x94: {  	s16 =	sld [smem:$0x11];
	(tm) =	ssettm $0x1  }
0x95: {  	s17 =	sld [smem:$0x3FFB];
	_ =	sdelay $0x3  }
0x96: {  	_ =	strace s17  }
0x97: {  	s4 =	sld [smem:$0x3FFC];
	_ =	sdelay $0x3  }
0x98: {  	_ =	strace s4  }
0x99: {  	s4 =	sld [smem:$0x3FFD];
	_ =	sdelay $0x3  }
0x9a: {  	_ =	strace s4  }
0x9b: {  	_ =	strace $0x8FFFFFFF  }
0x9c: {  	s18 =	sld [smem:$0x3FDB];
	_ =	sdelay $0x1  }
0x9d: {  	s5 =	simm.s32 $_scs_section_size  }
0x9e: {  	s6 =	simm.s32 $_size__tile_overlayer_lowered;
	s7 =	simm.s32 $_tile_overlayer_lowered  }
0x9f: {  	s21 =	simm.s32 $0x1BFF;
	s20 =	sshll.u32 s7, $0x1;
	s4 =	sadd.s32 s5, s18  }
0xa0: {  	s8 =	simm.s32 $0x0;
	s19 =	sshll.u32 s6, $0x1;
	s6 =	sadd.s32 s20, s4  }
0xa1: {  	[timem:s8], [sflag:s21] =	dma.local [hbm:s6], s19  }
0xa2: {  	_ =	swait.ge [sflag:s21], s19  }
0xa3: {  	s5 =	ssub.s32 $0x0, s19;
	[sflag:s21] =	ssyncset.done $0x0  }
0xa4: {  	[sflag:s21] =	ssyncadd.s32 s5;
	_ =	sdelay $0x1  }
0xa5: {  	s22 =	simm.s32 $0x1B8B  }
0xa6: {  	_ =	swait.ge [sflag:s22], $0x1  }
0xa7: {  	[sflag:s22] =	ssyncset.done $0x0  }
0xa8: {  	s23 =	simm.s32 $0x1B8E;
	[sflag:s22] =	ssyncadd.s32 $0xFFFFFFFF  }
0xa9: {  	s24 =	simm.s32 $execute0_lowered;
	[smem:$0x3FD2] =	sst s23  }
0xaa: {  	s5 =	sshll.u32 s24, $0x1;
	_ =	strace $0x80000046;
	[dreg:$0x1] =	wrdreg $0xFFFFFFFF  }
0xab: {  	s25 =	simm.s32 $_size_execute0_lowered;
	s4 =	sadd.s32 s4, s5;
	[dreg:$0x0] =	wrdreg $0x0  }
0xac: {  	s5 =	sshll.u32 s25, $0x1;
	[dreg:$0x2] =	wrdreg s4  }
0xad: {  	[dreg:$0x3] =	wrdreg s5  }
0xae: {  	[dreg:$0x4] =	wrdreg $0xC0  }
0xaf: {  	_ =	task [dreg:s8], $0x5FFFF  }
0xb0: {  	[dreg:$0x1] =	wrdreg $0xFFFFFFFF  }
0xb1: {  	[dreg:$0x0] =	wrdreg $0x60  }
0xb2: {  	[dreg:$0x2] =	wrdreg s14  }
0xb3: {  	[dreg:$0x3] =	wrdreg s2  }
0xb4: {  	[dreg:$0x4] =	wrdreg s15  }
0xb5: {  	[dreg:$0x5] =	wrdreg s16  }
0xb6: {  	[dreg:$0x6] =	wrdreg $0x9  }
0xb7: {  	_ =	task.clear_ibuf [dreg:s8], $0x7FFFF;
	_ =	strace $0x90000046  }
0xb8: {  	s26 =	simm.s32 $0x9;
	_ =	strace $0x80000048  }
0xb9: {  	_ =	swait.ge [sflag:s26], $0x1  }
0xba: {  	[sflag:s26] =	ssyncadd.s32 $0xFFFFFFFF  }
0xbb: {  	_ =	strace $0x90000048  }
0xbc: {  	_ =	sfence  }
0xbd: {  	s28 =	sld [smem:$0x0];
	_ =	sdelay $0x1  }
0xbe: {  	s29 =	srdreg.scid  }
0xbf: {  	s30 =	sshll.u32 s29, $0xD;
	s31 =	sshrl.u32 s29, $0x2  }
0xc0: {  	s1 =	sand.u32 $0x1, s29;
	s2 =	sand.u32 $0x4000, s30;
	s0 =	sadd.s32 s31, s28  }
0xc1: {  	s1 =	sor.u32 s2, s1;
	s0 =	sshll.u32 s0, $0x11  }
0xc2: {  	s0 =	sor.u32 s0, s1  }
0xc3: {  	s0 =	sadd.s32 $0x8F2B, s0  }
0xc4: {  	[sflag:s0] =	ssyncadd.remote.s32 $0x1  }
0xc5: {  	_ =	sfence.sel $0xFFFF  }
0xc6: {  	[dreg:$0x0] =	wrdreg $0xFFFFFFFF;
	(pc) =	sbr.abs _section_cstart, $3  }
0xc7: {  	[dreg:$0x1] =	wrdreg $0xFFFFFFFF  }
0xc8: {  	_ =	task.clear_ibuf [dreg:s8], $0x2FFFF;
	_ =	strace $0x9FFFFFFF  }
0xc9: {  	(tm) =	ssettm $0x7FFFFFFF  }
tec
execute0_lowered:
.L_overlay_start_1:
0x0: {  	(tag) =	ssettag $0x1  }
0x1: {  	s1 =	rddreg [dreg:$0x0]  }
0x2: {  	s5 =	rddreg [dreg:$0x1]  }
0x3: {  	s2 =	rddreg [dreg:$0x2]  }
0x4: {  	s3 =	rddreg [dreg:$0x3];
	s6 =	simm.s32 $0x0  }
0x5: {  	[smem:$0x7FF] =	sst s6  }
0x6: {  	s0 =	rddreg [dreg:$0x4];
	s7 =	simm.s32 $0x1;
	_ =	strace $0x80000047  }
0x7: {  	[tilespmem:s6], [sflag:$0x1] =	stream.linear.gather [hbm4b:s1+s6], $0x200, $0x38;
	[tilespmem:$0x600] =	vst v63  }
0x8: {  	s1 =	stileid.u32;
	_ =	swait.ge [sflag:s7], $0x200  }
0x9: {  	s4 =	sshll.u32 s1, $0x2;
	[sflag:s7] =	ssyncset.done $0x0  }
0xa: {  	s8 =	simm.s32 $0x480;
	s5 =	sadd.s32 s5, s4;
	[sflag:s7] =	ssyncadd.s32 $0xFFFFFE00  }
0xb: {  	[tilespmem:s8], [sflag:$0x1] =	stream.linear.gather [hbm4b:s5+s6], $0x20, $0x38;
	[tilespmem:$0x600] =	vst v63  }
0xc: {  	_ =	swait.ge [sflag:s7], $0x20  }
0xd: {  	[sflag:s7] =	ssyncset.done $0x0  }
0xe: {  	s5 =	simm.s32 $0x0;
	[sflag:s7] =	ssyncadd.s32 $0xFFFFFFE0  }
0xf: {  	s6 =	simm.s32 $0x40;
	v0 =	vld [tilespmem:s5+$0x0]  }
.LBB2_1:
0x10: {  	_ =	sdelay $0x1  }
0x11: {  	p0 =	sne.s32 s6, $0x7C0  }
.Ltmp0:
0x12: {  	_ = 	snop;
	(pc) =	sbr.rel @p0 .LBB2_1-.Ltmp0, $4  }
0x13: {  	v1 =	vshra.s32 v0, $0x1F  }
0x14: {  	v2 =	vmov v0;
	v1 =	vshrl.u32 v1, $0x1  }
0x15: {  	s7 =	sshra.s32 s6, $0x2;
	v1 =	vxor.u32 v2, v1  }
0x16: {  	s6 =	sadd.s32 $0x40, s6;
	v0 =	vld [tilespmem:s7+$0x0];
	[tilespmem:s5+$0x200] =	vst v1;
	s5 =	smov.u32 s7  }
0x17: {  	_ =	sdelay $0x3  }
0x18: {  	v1 =	vshra.s32 v0, $0x1F  }
0x19: {  	v1 =	vshrl.u32 v1, $0x1  }
0x1a: {  	v61 =	vxor.u32 v0, v1  }
0x1b: {  	[tilespmem:s5+$0x200] =	vst v61  }
0x1c: {  	v0 =	vld [tilespmem:$0x200];
	_ =	sdelay $0x4  }
0x1d: {  	s28 =	sshll.u32 s1, $0x5;
	[tilespmem:$0x400] =	vst v0  }
0x1e: {  	v0 =	vld [tilespmem:s28+$0x0]  }
0x1f: {  	v62 =	vld [tilespmem:s28+$0x10]  }
0x20: {  	v2 =	vlaneseq.u32  }
0x21: {  	v3 =	vor.u32 s28, v2  }
0x22: {  	[tilespmem:$0x580] =	vst v3  }
0x23: {  	v63 =	vor.u32 $0x10, v2;
	[tilespmem:$0x500] =	vst v0  }
0x24: {  	s3 =	sadd.s32 s3, s4;
	v0 =	vor.u32 s28, v63;
	[tilespmem:$0x510] =	vst v62  }
0x25: {  	s29 =	simm.s32 $0x0;
	s6 =	simm.s32 $0x500;
	s30 =	simm.s32 $0x1;
	[tilespmem:$0x590] =	vst v0  }
0x26: {  	[hbm4b:s3+s29] =	stream.linear.scatter [tilespmem:s6], [sflag:$0x1], $0x20, $0x38;
	[tilespmem:$0x600] =	vst v63  }
0x27: {  	_ =	swait.ge [sflag:s30], $0x20  }
0x28: {  	[sflag:s30] =	ssyncset.done $0x0  }
0x29: {  	s2 =	sadd.s32 s2, s4;
	s31 =	simm.s32 $0x480;
	[sflag:s30] =	ssyncadd.s32 $0xFFFFFFE0  }
0x2a: {  	[hbm4b:s2+s29] =	stream.linear.scatter [tilespmem:s31], [sflag:$0x1], $0x20, $0x38;
	[tilespmem:$0x600] =	vst v63  }
0x2b: {  	_ =	swait.ge [sflag:s30], $0x20  }
0x2c: {  	[sflag:s30] =	ssyncset.done $0x0  }
0x2d: {  	[sflag:s30] =	ssyncadd.s32 $0xFFFFFFE0  }
0x2e: {  	_ =	sfence.sel $0x180000  }
0x2f: {  	[bflag:$0x0] =	sbarrier.arrive $0xFFFF  }
0x30: {  	p0 =	sne.s32 s1, $0x0;
	_ =	strace $0x90000047  }
0x31: {  	s0 =	sadd.s32 @!p0 $0x100000, s0;
	[bflag:$0x2] =	sbarrier.arrive $0xFFFF  }
0x32: {  	[sflag:s0] =	ssyncadd.tile.s32 @!p0 $0x1;
	_ =	shalt  }
.Lfunc_end2:
_tile_overlayer_lowered:
.L_overlay_start_2:
0x33: {  	(tag) =	ssettag $0x2  }
0x34: {  	s0 =	rddreg [dreg:$0x0];
	s2 =	stileid.u32  }
0x35: {  	s1 =	rddreg [dreg:$0x1];
	p0 =	sne.s32 s2, $0x0  }
0x36: {  	s3 =	rddreg [dreg:$0x2];
	[bflag:$0x3] =	sbarrier.arrive $0xFFFF;
	s2 =	simm.s32 @!p0 $0x1C01  }
0x37: {  	[timem:s3], [sflag:s2] =	dma.local @!p0 [hbm:s0], s1  }
0x38: {  	s0 =	simm.s32 @!p0 $0x1  }
0x39: {  	_ =	swait.ge @!p0 [sflag:s0], s1  }
0x3a: {  	s1 =	ssub.s32 @!p0 $0x0, s1;
	[sflag:s0] =	ssyncset.done @!p0 $0x0  }
0x3b: {  	[sflag:s0] =	ssyncadd.s32 @!p0 s1  }
0x3c: {  	[bflag:$0x3] =	sbarrier.arrive $0xFFFF  }
0x3d: {  	_ =	shalt  }

</sc_bundles>
